<compile_context>
chip_gen: v7x
topology: tpu7x:2x2x1
jax: 0.10.2.dev20260603
libtpu: 0.0.44.dev20260713+nightly
codegen_flags: <defaults>
</compile_context>

<pallas_src>
import functools

import jax
import jax.numpy as jnp
from jax import lax
from jax.experimental import pallas as pl
from jax.experimental.pallas import tpu as pltpu
from jax.experimental.pallas import tpu_sc as plsc


def _sc_gather(idx, table, n_chunks, chunk, nc, ns, nbuf):
    nw = nc * ns
    rows_per_w = n_chunks * chunk
    n_total = nw * rows_per_w
    d = table.shape[1]
    ahead = nbuf // 2
    assert nbuf == 2 * ahead and n_chunks >= 2 * nbuf

    mesh = plsc.VectorSubcoreMesh(core_axis_name="c", subcore_axis_name="s")

    @functools.partial(
        pl.kernel,
        out_type=jax.ShapeDtypeStruct((n_total, d), jnp.float32),
        mesh=mesh,
        scratch_types=[
            pltpu.VMEM((n_chunks, chunk), jnp.int32),
            [pltpu.VMEM((chunk, d), jnp.float32)] * nbuf,
            [pltpu.SemaphoreType.DMA] * nbuf,
            [pltpu.SemaphoreType.DMA] * nbuf,
        ],
    )
    def gather_k(idx_hbm, table_hbm, out_hbm, idx_v, bufs, gs, os_):
        wid = lax.axis_index("s") * nc + lax.axis_index("c")
        base = wid * rows_per_w
        pltpu.sync_copy(idx_hbm.at[wid], idx_v)

        def g_copy(j, b):
            return pltpu.make_async_copy(table_hbm.at[idx_v.at[j]], bufs[b], gs[b])

        def o_copy(j, b):
            return pltpu.make_async_copy(
                bufs[b], out_hbm.at[pl.ds(base + j * chunk, chunk)], os_[b])

        def step(j, b):
            g_copy(j, b).wait()
            o_copy(j, b).start()
            b2 = (b + ahead) % nbuf
            o_copy(j - ahead, b2).wait()
            g_copy(j + ahead, b2).start()

        for j in range(ahead):
            g_copy(j, j).start()
        for j in range(ahead):
            g_copy(j, j).wait()
            o_copy(j, j).start()
            g_copy(j + ahead, j + ahead).start()

        q, r = divmod(n_chunks - 2 * ahead, nbuf)

        def body(p, carry):
            j0 = nbuf * p + ahead
            for i in range(nbuf):
                step(j0 + i, (ahead + i) % nbuf)
            return carry

        lax.fori_loop(0, q, body, 0)
        for j in range(n_chunks - ahead - r, n_chunks - ahead):
            step(j, j % nbuf)
        for j in range(n_chunks - ahead, n_chunks):
            b = j % nbuf
            g_copy(j, b).wait()
            o_copy(j, b).start()
            o_copy(j - ahead, (b + ahead) % nbuf).wait()
        for j in range(n_chunks - ahead, n_chunks):
            o_copy(j, j % nbuf).wait()

    return gather_k(idx, table)


def kernel(indices, table):
    b0, b1 = indices.shape
    v, d = table.shape
    n = b0 * b1

    info = plsc.get_sparse_core_info()
    nc, ns = info.num_cores, info.num_subcores
    nw = nc * ns

    chunk = 16
    nbuf = 4
    per_w = n // nw
    n_chunks = per_w // chunk
    assert n == nw * n_chunks * chunk, (n, nw, chunk)

    idx = indices.T.reshape(nw, n_chunks, chunk).astype(jnp.int32)
    out = _sc_gather(idx, table, n_chunks, chunk, nc, ns, nbuf)
    return out.reshape(b1, b0, d).transpose(1, 0, 2)

# --- scband reference (transcript-rebuilt; emitter-appended) ---
"""Pipeline reference for scband-model-26302379721051 (READ-ONLY COPY).

The authoritative reference and input builder live on the scoring server;
editing this copy changes nothing except your own understanding.
"""

import jax, jax.numpy as jnp
import numpy as np

NUM_EMBEDDINGS = 100000
EMBED_DIM = 768

def setup_inputs(seed: int = 0) -> dict:
    key = jax.random.key(seed)
    k_idx, k_tab = jax.random.split(key)
    indices = jax.random.randint(k_idx, (4096, 50), 0, NUM_EMBEDDINGS, dtype=jnp.int64 if jax.config.jax_enable_x64 else jnp.int32)
    table = jax.random.normal(k_tab, (NUM_EMBEDDINGS, EMBED_DIM), dtype=jnp.float32)
    return {"indices": indices, "table": table}

def reference(indices, table):
    # nn.Embedding forward: row gather from the embedding table
    return jnp.take(table, indices, axis=0)

if __name__ == "__main__":
    import jax
    _d = setup_inputs()
    print(jax.jit(kernel)(*tuple(_d.values())))

</pallas_src>

<mosaic_0001>
#map = affine_map<(d0, d1) -> (0, 0, 0)>
#map1 = affine_map<(d0, d1) -> (0, 0)>
module attributes {stable_mosaic.version = 14 : i64} {
  func.func @gather_k(%arg0: i32, %arg1: i32, %arg2: memref<32x400x16xi32, #tpu.memory_space<hbm>>, %arg3: memref<100000x768xf32, #tpu.memory_space<hbm>>, %arg4: memref<204800x768xf32, #tpu.memory_space<hbm>>, %arg5: memref<400x16xi32, #tpu.memory_space<vmem>>, %arg6: memref<16x768xf32, #tpu.memory_space<vmem>>, %arg7: memref<16x768xf32, #tpu.memory_space<vmem>>, %arg8: memref<16x768xf32, #tpu.memory_space<vmem>>, %arg9: memref<16x768xf32, #tpu.memory_space<vmem>>, %arg10: memref<!tpu.dma_semaphore, #tpu.memory_space<semaphore_mem>>, %arg11: memref<!tpu.dma_semaphore, #tpu.memory_space<semaphore_mem>>, %arg12: memref<!tpu.dma_semaphore, #tpu.memory_space<semaphore_mem>>, %arg13: memref<!tpu.dma_semaphore, #tpu.memory_space<semaphore_mem>>, %arg14: memref<!tpu.dma_semaphore, #tpu.memory_space<semaphore_mem>>, %arg15: memref<!tpu.dma_semaphore, #tpu.memory_space<semaphore_mem>>, %arg16: memref<!tpu.dma_semaphore, #tpu.memory_space<semaphore_mem>>, %arg17: memref<!tpu.dma_semaphore, #tpu.memory_space<semaphore_mem>>) attributes {dimension_semantics = [#tpu.dimension_semantics<core_parallel>, #tpu.dimension_semantics<subcore_parallel>], iteration_bounds = array<i64: 2, 16>, scalar_prefetch = 0 : i64, scratch_operands = 13 : i64, tpu.core_type = #tpu.core_type<sc_vector_subcore>, window_params = [{transform_indices = #map}, {transform_indices = #map1}, {transform_indices = #map1}]} {
    %mul3A = arith.constant 2 : i32
    %mul3A_0 = arith.muli %arg1, %mul3A : i32
    %add3A = arith.addi %mul3A_0, %arg0 : i32
    %mul3A_1 = arith.constant 6400 : i32
    %mul3A_2 = arith.muli %add3A, %mul3A_1 : i32
    "tpu.region"() ({
      %run_scoped3A = tpu.sem_alloc : memref<!tpu.dma_semaphore, #tpu.memory_space<semaphore_mem>>
      %dma_start3A_110 = arith.constant 0 : i32
      %dma_start3A_111 = arith.constant 0 : i32
      %dma_start3A_112 = tpu.memref_slice %arg2[%add3A, %dma_start3A_110, %dma_start3A_111] : memref<32x400x16xi32, #tpu.memory_space<hbm>> -> memref<1x400x16xi32, #tpu.memory_space<hbm>>
      %dma_start3A_113 = tpu.memref_squeeze %dma_start3A_112 : memref<1x400x16xi32, #tpu.memory_space<hbm>> -> memref<400x16xi32, #tpu.memory_space<hbm>>
      %dma_start3A_114 = arith.constant 0 : i32
      %dma_start3A_115 = arith.constant 0 : i32
      %dma_start3A_116 = tpu.memref_slice %arg2[%add3A, %dma_start3A_114, %dma_start3A_115] : memref<32x400x16xi32, #tpu.memory_space<hbm>> -> memref<1x400x16xi32, #tpu.memory_space<hbm>>
      %dma_start3A_117 = tpu.memref_squeeze %dma_start3A_116 : memref<1x400x16xi32, #tpu.memory_space<hbm>> -> memref<400x16xi32, #tpu.memory_space<hbm>>
      tpu.enqueue_dma source(%dma_start3A_117 : memref<400x16xi32, #tpu.memory_space<hbm>>) target(%arg5 : memref<400x16xi32, #tpu.memory_space<vmem>>) target_semaphore(%run_scoped3A : memref<!tpu.dma_semaphore, #tpu.memory_space<semaphore_mem>>)
      %dma_wait3A_118 = arith.constant 0 : i32
      %dma_wait3A_119 = arith.constant 0 : i32
      %dma_wait3A_120 = tpu.memref_slice %arg2[%add3A, %dma_wait3A_118, %dma_wait3A_119] : memref<32x400x16xi32, #tpu.memory_space<hbm>> -> memref<1x400x16xi32, #tpu.memory_space<hbm>>
      %dma_wait3A_121 = tpu.memref_squeeze %dma_wait3A_120 : memref<1x400x16xi32, #tpu.memory_space<hbm>> -> memref<400x16xi32, #tpu.memory_space<hbm>>
      %dma_wait3A_122 = arith.constant 0 : i32
      %dma_wait3A_123 = arith.constant 0 : i32
      %dma_wait3A_124 = tpu.memref_slice %arg2[%add3A, %dma_wait3A_122, %dma_wait3A_123] : memref<32x400x16xi32, #tpu.memory_space<hbm>> -> memref<1x400x16xi32, #tpu.memory_space<hbm>>
      %dma_wait3A_125 = tpu.memref_squeeze %dma_wait3A_124 : memref<1x400x16xi32, #tpu.memory_space<hbm>> -> memref<400x16xi32, #tpu.memory_space<hbm>>
      tpu.wait_dma2 semaphore(%run_scoped3A : memref<!tpu.dma_semaphore, #tpu.memory_space<semaphore_mem>>) src(%dma_wait3A_125 : memref<400x16xi32, #tpu.memory_space<hbm>>) dst(%arg5 : memref<400x16xi32, #tpu.memory_space<vmem>>)
      tpu.yield
    }) : () -> ()
    %dma_start3A = arith.constant 0 : i32
    %dma_start3A_3 = arith.constant 0 : i32
    %dma_start3A_4 = tpu.memref_slice %arg5[%dma_start3A, %dma_start3A_3] : memref<400x16xi32, #tpu.memory_space<vmem>> -> memref<1x16xi32, #tpu.memory_space<vmem>>
    %dma_start3A_5 = tpu.memref_squeeze %dma_start3A_4 : memref<1x16xi32, #tpu.memory_space<vmem>> -> memref<16xi32, #tpu.memory_space<vmem>>
    %dma_start3A_6 = arith.constant 0 : i32
    %dma_start3A_7 = arith.constant 0 : i32
    %dma_start3A_8 = tpu.memref_slice %arg3[%dma_start3A_6, %dma_start3A_7] : memref<100000x768xf32, #tpu.memory_space<hbm>> -> memref<100000x768xf32, #tpu.memory_space<hbm>>
    tpu.enqueue_indirect_dma source(%dma_start3A_8 : memref<100000x768xf32, #tpu.memory_space<hbm>>) target(%arg6 : memref<16x768xf32, #tpu.memory_space<vmem>>) offsets(%dma_start3A_5 : memref<16xi32, #tpu.memory_space<vmem>>) semaphore(%arg10 : memref<!tpu.dma_semaphore, #tpu.memory_space<semaphore_mem>>)
    %dma_start3A_9 = arith.constant 1 : i32
    %dma_start3A_10 = arith.constant 0 : i32
    %dma_start3A_11 = tpu.memref_slice %arg5[%dma_start3A_9, %dma_start3A_10] : memref<400x16xi32, #tpu.memory_space<vmem>> -> memref<1x16xi32, #tpu.memory_space<vmem>>
    %dma_start3A_12 = tpu.memref_squeeze %dma_start3A_11 : memref<1x16xi32, #tpu.memory_space<vmem>> -> memref<16xi32, #tpu.memory_space<vmem>>
    %dma_start3A_13 = arith.constant 0 : i32
    %dma_start3A_14 = arith.constant 0 : i32
    %dma_start3A_15 = tpu.memref_slice %arg3[%dma_start3A_13, %dma_start3A_14] : memref<100000x768xf32, #tpu.memory_space<hbm>> -> memref<100000x768xf32, #tpu.memory_space<hbm>>
    tpu.enqueue_indirect_dma source(%dma_start3A_15 : memref<100000x768xf32, #tpu.memory_space<hbm>>) target(%arg7 : memref<16x768xf32, #tpu.memory_space<vmem>>) offsets(%dma_start3A_12 : memref<16xi32, #tpu.memory_space<vmem>>) semaphore(%arg11 : memref<!tpu.dma_semaphore, #tpu.memory_space<semaphore_mem>>)
    %dma_wait3A = arith.constant 0 : i32
    %dma_wait3A_16 = arith.constant 0 : i32
    %dma_wait3A_17 = tpu.memref_slice %arg5[%dma_wait3A, %dma_wait3A_16] : memref<400x16xi32, #tpu.memory_space<vmem>> -> memref<1x16xi32, #tpu.memory_space<vmem>>
    %dma_wait3A_18 = tpu.memref_squeeze %dma_wait3A_17 : memref<1x16xi32, #tpu.memory_space<vmem>> -> memref<16xi32, #tpu.memory_space<vmem>>
    %dma_wait3A_19 = arith.constant 0 : i32
    %dma_wait3A_20 = arith.constant 0 : i32
    %dma_wait3A_21 = tpu.memref_slice %arg3[%dma_wait3A_19, %dma_wait3A_20] : memref<100000x768xf32, #tpu.memory_space<hbm>> -> memref<100000x768xf32, #tpu.memory_space<hbm>>
    tpu.wait_indirect_dma semaphore(%arg10 : memref<!tpu.dma_semaphore, #tpu.memory_space<semaphore_mem>>) src(%dma_wait3A_21 : memref<100000x768xf32, #tpu.memory_space<hbm>>) dst(%arg6 : memref<16x768xf32, #tpu.memory_space<vmem>>)
    %add3A_22 = arith.constant 0 : i32
    %add3A_23 = arith.addi %mul3A_2, %add3A_22 : i32
    %dma_start3A_24 = arith.constant 0 : i32
    %dma_start3A_25 = tpu.memref_slice %arg4[%add3A_23, %dma_start3A_24] : memref<204800x768xf32, #tpu.memory_space<hbm>> -> memref<16x768xf32, #tpu.memory_space<hbm>>
    %dma_start3A_26 = arith.constant 0 : i32
    %dma_start3A_27 = tpu.memref_slice %arg4[%add3A_23, %dma_start3A_26] : memref<204800x768xf32, #tpu.memory_space<hbm>> -> memref<16x768xf32, #tpu.memory_space<hbm>>
    tpu.enqueue_dma source(%arg6 : memref<16x768xf32, #tpu.memory_space<vmem>>) target(%dma_start3A_27 : memref<16x768xf32, #tpu.memory_space<hbm>>) target_semaphore(%arg14 : memref<!tpu.dma_semaphore, #tpu.memory_space<semaphore_mem>>)
    %dma_start3A_28 = arith.constant 2 : i32
    %dma_start3A_29 = arith.constant 0 : i32
    %dma_start3A_30 = tpu.memref_slice %arg5[%dma_start3A_28, %dma_start3A_29] : memref<400x16xi32, #tpu.memory_space<vmem>> -> memref<1x16xi32, #tpu.memory_space<vmem>>
    %dma_start3A_31 = tpu.memref_squeeze %dma_start3A_30 : memref<1x16xi32, #tpu.memory_space<vmem>> -> memref<16xi32, #tpu.memory_space<vmem>>
    %dma_start3A_32 = arith.constant 0 : i32
    %dma_start3A_33 = arith.constant 0 : i32
    %dma_start3A_34 = tpu.memref_slice %arg3[%dma_start3A_32, %dma_start3A_33] : memref<100000x768xf32, #tpu.memory_space<hbm>> -> memref<100000x768xf32, #tpu.memory_space<hbm>>
    tpu.enqueue_indirect_dma source(%dma_start3A_34 : memref<100000x768xf32, #tpu.memory_space<hbm>>) target(%arg8 : memref<16x768xf32, #tpu.memory_space<vmem>>) offsets(%dma_start3A_31 : memref<16xi32, #tpu.memory_space<vmem>>) semaphore(%arg12 : memref<!tpu.dma_semaphore, #tpu.memory_space<semaphore_mem>>)
    %dma_wait3A_35 = arith.constant 1 : i32
    %dma_wait3A_36 = arith.constant 0 : i32
    %dma_wait3A_37 = tpu.memref_slice %arg5[%dma_wait3A_35, %dma_wait3A_36] : memref<400x16xi32, #tpu.memory_space<vmem>> -> memref<1x16xi32, #tpu.memory_space<vmem>>
    %dma_wait3A_38 = tpu.memref_squeeze %dma_wait3A_37 : memref<1x16xi32, #tpu.memory_space<vmem>> -> memref<16xi32, #tpu.memory_space<vmem>>
    %dma_wait3A_39 = arith.constant 0 : i32
    %dma_wait3A_40 = arith.constant 0 : i32
    %dma_wait3A_41 = tpu.memref_slice %arg3[%dma_wait3A_39, %dma_wait3A_40] : memref<100000x768xf32, #tpu.memory_space<hbm>> -> memref<100000x768xf32, #tpu.memory_space<hbm>>
    tpu.wait_indirect_dma semaphore(%arg11 : memref<!tpu.dma_semaphore, #tpu.memory_space<semaphore_mem>>) src(%dma_wait3A_41 : memref<100000x768xf32, #tpu.memory_space<hbm>>) dst(%arg7 : memref<16x768xf32, #tpu.memory_space<vmem>>)
    %add3A_42 = arith.constant 16 : i32
    %add3A_43 = arith.addi %mul3A_2, %add3A_42 : i32
    %dma_start3A_44 = arith.constant 0 : i32
    %dma_start3A_45 = tpu.memref_slice %arg4[%add3A_43, %dma_start3A_44] : memref<204800x768xf32, #tpu.memory_space<hbm>> -> memref<16x768xf32, #tpu.memory_space<hbm>>
    %dma_start3A_46 = arith.constant 0 : i32
    %dma_start3A_47 = tpu.memref_slice %arg4[%add3A_43, %dma_start3A_46] : memref<204800x768xf32, #tpu.memory_space<hbm>> -> memref<16x768xf32, #tpu.memory_space<hbm>>
    tpu.enqueue_dma source(%arg7 : memref<16x768xf32, #tpu.memory_space<vmem>>) target(%dma_start3A_47 : memref<16x768xf32, #tpu.memory_space<hbm>>) target_semaphore(%arg15 : memref<!tpu.dma_semaphore, #tpu.memory_space<semaphore_mem>>)
    %dma_start3A_48 = arith.constant 3 : i32
    %dma_start3A_49 = arith.constant 0 : i32
    %dma_start3A_50 = tpu.memref_slice %arg5[%dma_start3A_48, %dma_start3A_49] : memref<400x16xi32, #tpu.memory_space<vmem>> -> memref<1x16xi32, #tpu.memory_space<vmem>>
    %dma_start3A_51 = tpu.memref_squeeze %dma_start3A_50 : memref<1x16xi32, #tpu.memory_space<vmem>> -> memref<16xi32, #tpu.memory_space<vmem>>
    %dma_start3A_52 = arith.constant 0 : i32
    %dma_start3A_53 = arith.constant 0 : i32
    %dma_start3A_54 = tpu.memref_slice %arg3[%dma_start3A_52, %dma_start3A_53] : memref<100000x768xf32, #tpu.memory_space<hbm>> -> memref<100000x768xf32, #tpu.memory_space<hbm>>
    tpu.enqueue_indirect_dma source(%dma_start3A_54 : memref<100000x768xf32, #tpu.memory_space<hbm>>) target(%arg9 : memref<16x768xf32, #tpu.memory_space<vmem>>) offsets(%dma_start3A_51 : memref<16xi32, #tpu.memory_space<vmem>>) semaphore(%arg13 : memref<!tpu.dma_semaphore, #tpu.memory_space<semaphore_mem>>)
    %scan3A = arith.constant 0 : i32
    %scan3A_55 = arith.constant 0 : i32
    %scan3A_56 = arith.constant 99 : i32
    %scan3A_57 = arith.addi %scan3A_55, %scan3A_56 : i32
    %scan3A_58 = arith.constant 1 : i32
    scf.for %scan3A_110 = %scan3A_55 to %scan3A_57 step %scan3A_58  : i32 {
      %mul3A_111 = arith.constant 4 : i32
      %mul3A_112 = arith.muli %mul3A_111, %scan3A_110 : i32
      %add3A_113 = arith.constant 2 : i32
      %add3A_114 = arith.addi %mul3A_112, %add3A_113 : i32
      %add3A_115 = arith.constant 0 : i32
      %add3A_116 = arith.addi %add3A_114, %add3A_115 : i32
      %dma_wait3A_117 = arith.constant 0 : i32
      %dma_wait3A_118 = tpu.memref_slice %arg5[%add3A_116, %dma_wait3A_117] : memref<400x16xi32, #tpu.memory_space<vmem>> -> memref<1x16xi32, #tpu.memory_space<vmem>>
      %dma_wait3A_119 = tpu.memref_squeeze %dma_wait3A_118 : memref<1x16xi32, #tpu.memory_space<vmem>> -> memref<16xi32, #tpu.memory_space<vmem>>
      %dma_wait3A_120 = arith.constant 0 : i32
      %dma_wait3A_121 = arith.constant 0 : i32
      %dma_wait3A_122 = tpu.memref_slice %arg3[%dma_wait3A_120, %dma_wait3A_121] : memref<100000x768xf32, #tpu.memory_space<hbm>> -> memref<100000x768xf32, #tpu.memory_space<hbm>>
      tpu.wait_indirect_dma semaphore(%arg12 : memref<!tpu.dma_semaphore, #tpu.memory_space<semaphore_mem>>) src(%dma_wait3A_122 : memref<100000x768xf32, #tpu.memory_space<hbm>>) dst(%arg8 : memref<16x768xf32, #tpu.memory_space<vmem>>)
      %mul3A_123 = arith.constant 16 : i32
      %mul3A_124 = arith.muli %add3A_116, %mul3A_123 : i32
      %add3A_125 = arith.addi %mul3A_2, %mul3A_124 : i32
      %dma_start3A_126 = arith.constant 0 : i32
      %dma_start3A_127 = tpu.memref_slice %arg4[%add3A_125, %dma_start3A_126] : memref<204800x768xf32, #tpu.memory_space<hbm>> -> memref<16x768xf32, #tpu.memory_space<hbm>>
      %dma_start3A_128 = arith.constant 0 : i32
      %dma_start3A_129 = tpu.memref_slice %arg4[%add3A_125, %dma_start3A_128] : memref<204800x768xf32, #tpu.memory_space<hbm>> -> memref<16x768xf32, #tpu.memory_space<hbm>>
      tpu.enqueue_dma source(%arg8 : memref<16x768xf32, #tpu.memory_space<vmem>>) target(%dma_start3A_129 : memref<16x768xf32, #tpu.memory_space<hbm>>) target_semaphore(%arg16 : memref<!tpu.dma_semaphore, #tpu.memory_space<semaphore_mem>>)
      %sub3A = arith.constant 2 : i32
      %sub3A_130 = arith.subi %add3A_116, %sub3A : i32
      %mul3A_131 = arith.constant 16 : i32
      %mul3A_132 = arith.muli %sub3A_130, %mul3A_131 : i32
      %add3A_133 = arith.addi %mul3A_2, %mul3A_132 : i32
      %dma_wait3A_134 = arith.constant 0 : i32
      %dma_wait3A_135 = tpu.memref_slice %arg4[%add3A_133, %dma_wait3A_134] : memref<204800x768xf32, #tpu.memory_space<hbm>> -> memref<16x768xf32, #tpu.memory_space<hbm>>
      %dma_wait3A_136 = arith.constant 0 : i32
      %dma_wait3A_137 = tpu.memref_slice %arg4[%add3A_133, %dma_wait3A_136] : memref<204800x768xf32, #tpu.memory_space<hbm>> -> memref<16x768xf32, #tpu.memory_space<hbm>>
      tpu.wait_dma2 semaphore(%arg14 : memref<!tpu.dma_semaphore, #tpu.memory_space<semaphore_mem>>) src(%arg6 : memref<16x768xf32, #tpu.memory_space<vmem>>) dst(%dma_wait3A_137 : memref<16x768xf32, #tpu.memory_space<hbm>>)
      %add3A_138 = arith.constant 2 : i32
      %add3A_139 = arith.addi %add3A_116, %add3A_138 : i32
      %dma_start3A_140 = arith.constant 0 : i32
      %dma_start3A_141 = tpu.memref_slice %arg5[%add3A_139, %dma_start3A_140] : memref<400x16xi32, #tpu.memory_space<vmem>> -> memref<1x16xi32, #tpu.memory_space<vmem>>
      %dma_start3A_142 = tpu.memref_squeeze %dma_start3A_141 : memref<1x16xi32, #tpu.memory_space<vmem>> -> memref<16xi32, #tpu.memory_space<vmem>>
      %dma_start3A_143 = arith.constant 0 : i32
      %dma_start3A_144 = arith.constant 0 : i32
      %dma_start3A_145 = tpu.memref_slice %arg3[%dma_start3A_143, %dma_start3A_144] : memref<100000x768xf32, #tpu.memory_space<hbm>> -> memref<100000x768xf32, #tpu.memory_space<hbm>>
      tpu.enqueue_indirect_dma source(%dma_start3A_145 : memref<100000x768xf32, #tpu.memory_space<hbm>>) target(%arg6 : memref<16x768xf32, #tpu.memory_space<vmem>>) offsets(%dma_start3A_142 : memref<16xi32, #tpu.memory_space<vmem>>) semaphore(%arg10 : memref<!tpu.dma_semaphore, #tpu.memory_space<semaphore_mem>>)
      %add3A_146 = arith.constant 1 : i32
      %add3A_147 = arith.addi %add3A_114, %add3A_146 : i32
      %dma_wait3A_148 = arith.constant 0 : i32
      %dma_wait3A_149 = tpu.memref_slice %arg5[%add3A_147, %dma_wait3A_148] : memref<400x16xi32, #tpu.memory_space<vmem>> -> memref<1x16xi32, #tpu.memory_space<vmem>>
      %dma_wait3A_150 = tpu.memref_squeeze %dma_wait3A_149 : memref<1x16xi32, #tpu.memory_space<vmem>> -> memref<16xi32, #tpu.memory_space<vmem>>
      %dma_wait3A_151 = arith.constant 0 : i32
      %dma_wait3A_152 = arith.constant 0 : i32
      %dma_wait3A_153 = tpu.memref_slice %arg3[%dma_wait3A_151, %dma_wait3A_152] : memref<100000x768xf32, #tpu.memory_space<hbm>> -> memref<100000x768xf32, #tpu.memory_space<hbm>>
      tpu.wait_indirect_dma semaphore(%arg13 : memref<!tpu.dma_semaphore, #tpu.memory_space<semaphore_mem>>) src(%dma_wait3A_153 : memref<100000x768xf32, #tpu.memory_space<hbm>>) dst(%arg9 : memref<16x768xf32, #tpu.memory_space<vmem>>)
      %mul3A_154 = arith.constant 16 : i32
      %mul3A_155 = arith.muli %add3A_147, %mul3A_154 : i32
      %add3A_156 = arith.addi %mul3A_2, %mul3A_155 : i32
      %dma_start3A_157 = arith.constant 0 : i32
      %dma_start3A_158 = tpu.memref_slice %arg4[%add3A_156, %dma_start3A_157] : memref<204800x768xf32, #tpu.memory_space<hbm>> -> memref<16x768xf32, #tpu.memory_space<hbm>>
      %dma_start3A_159 = arith.constant 0 : i32
      %dma_start3A_160 = tpu.memref_slice %arg4[%add3A_156, %dma_start3A_159] : memref<204800x768xf32, #tpu.memory_space<hbm>> -> memref<16x768xf32, #tpu.memory_space<hbm>>
      tpu.enqueue_dma source(%arg9 : memref<16x768xf32, #tpu.memory_space<vmem>>) target(%dma_start3A_160 : memref<16x768xf32, #tpu.memory_space<hbm>>) target_semaphore(%arg17 : memref<!tpu.dma_semaphore, #tpu.memory_space<semaphore_mem>>)
      %sub3A_161 = arith.constant 2 : i32
      %sub3A_162 = arith.subi %add3A_147, %sub3A_161 : i32
      %mul3A_163 = arith.constant 16 : i32
      %mul3A_164 = arith.muli %sub3A_162, %mul3A_163 : i32
      %add3A_165 = arith.addi %mul3A_2, %mul3A_164 : i32
      %dma_wait3A_166 = arith.constant 0 : i32
      %dma_wait3A_167 = tpu.memref_slice %arg4[%add3A_165, %dma_wait3A_166] : memref<204800x768xf32, #tpu.memory_space<hbm>> -> memref<16x768xf32, #tpu.memory_space<hbm>>
      %dma_wait3A_168 = arith.constant 0 : i32
      %dma_wait3A_169 = tpu.memref_slice %arg4[%add3A_165, %dma_wait3A_168] : memref<204800x768xf32, #tpu.memory_space<hbm>> -> memref<16x768xf32, #tpu.memory_space<hbm>>
      tpu.wait_dma2 semaphore(%arg15 : memref<!tpu.dma_semaphore, #tpu.memory_space<semaphore_mem>>) src(%arg7 : memref<16x768xf32, #tpu.memory_space<vmem>>) dst(%dma_wait3A_169 : memref<16x768xf32, #tpu.memory_space<hbm>>)
      %add3A_170 = arith.constant 2 : i32
      %add3A_171 = arith.addi %add3A_147, %add3A_170 : i32
      %dma_start3A_172 = arith.constant 0 : i32
      %dma_start3A_173 = tpu.memref_slice %arg5[%add3A_171, %dma_start3A_172] : memref<400x16xi32, #tpu.memory_space<vmem>> -> memref<1x16xi32, #tpu.memory_space<vmem>>
      %dma_start3A_174 = tpu.memref_squeeze %dma_start3A_173 : memref<1x16xi32, #tpu.memory_space<vmem>> -> memref<16xi32, #tpu.memory_space<vmem>>
      %dma_start3A_175 = arith.constant 0 : i32
      %dma_start3A_176 = arith.constant 0 : i32
      %dma_start3A_177 = tpu.memref_slice %arg3[%dma_start3A_175, %dma_start3A_176] : memref<100000x768xf32, #tpu.memory_space<hbm>> -> memref<100000x768xf32, #tpu.memory_space<hbm>>
      tpu.enqueue_indirect_dma source(%dma_start3A_177 : memref<100000x768xf32, #tpu.memory_space<hbm>>) target(%arg7 : memref<16x768xf32, #tpu.memory_space<vmem>>) offsets(%dma_start3A_174 : memref<16xi32, #tpu.memory_space<vmem>>) semaphore(%arg11 : memref<!tpu.dma_semaphore, #tpu.memory_space<semaphore_mem>>)
      %add3A_178 = arith.constant 2 : i32
      %add3A_179 = arith.addi %add3A_114, %add3A_178 : i32
      %dma_wait3A_180 = arith.constant 0 : i32
      %dma_wait3A_181 = tpu.memref_slice %arg5[%add3A_179, %dma_wait3A_180] : memref<400x16xi32, #tpu.memory_space<vmem>> -> memref<1x16xi32, #tpu.memory_space<vmem>>
      %dma_wait3A_182 = tpu.memref_squeeze %dma_wait3A_181 : memref<1x16xi32, #tpu.memory_space<vmem>> -> memref<16xi32, #tpu.memory_space<vmem>>
      %dma_wait3A_183 = arith.constant 0 : i32
      %dma_wait3A_184 = arith.constant 0 : i32
      %dma_wait3A_185 = tpu.memref_slice %arg3[%dma_wait3A_183, %dma_wait3A_184] : memref<100000x768xf32, #tpu.memory_space<hbm>> -> memref<100000x768xf32, #tpu.memory_space<hbm>>
      tpu.wait_indirect_dma semaphore(%arg10 : memref<!tpu.dma_semaphore, #tpu.memory_space<semaphore_mem>>) src(%dma_wait3A_185 : memref<100000x768xf32, #tpu.memory_space<hbm>>) dst(%arg6 : memref<16x768xf32, #tpu.memory_space<vmem>>)
      %mul3A_186 = arith.constant 16 : i32
      %mul3A_187 = arith.muli %add3A_179, %mul3A_186 : i32
      %add3A_188 = arith.addi %mul3A_2, %mul3A_187 : i32
      %dma_start3A_189 = arith.constant 0 : i32
      %dma_start3A_190 = tpu.memref_slice %arg4[%add3A_188, %dma_start3A_189] : memref<204800x768xf32, #tpu.memory_space<hbm>> -> memref<16x768xf32, #tpu.memory_space<hbm>>
      %dma_start3A_191 = arith.constant 0 : i32
      %dma_start3A_192 = tpu.memref_slice %arg4[%add3A_188, %dma_start3A_191] : memref<204800x768xf32, #tpu.memory_space<hbm>> -> memref<16x768xf32, #tpu.memory_space<hbm>>
      tpu.enqueue_dma source(%arg6 : memref<16x768xf32, #tpu.memory_space<vmem>>) target(%dma_start3A_192 : memref<16x768xf32, #tpu.memory_space<hbm>>) target_semaphore(%arg14 : memref<!tpu.dma_semaphore, #tpu.memory_space<semaphore_mem>>)
      %sub3A_193 = arith.constant 2 : i32
      %sub3A_194 = arith.subi %add3A_179, %sub3A_193 : i32
      %mul3A_195 = arith.constant 16 : i32
      %mul3A_196 = arith.muli %sub3A_194, %mul3A_195 : i32
      %add3A_197 = arith.addi %mul3A_2, %mul3A_196 : i32
      %dma_wait3A_198 = arith.constant 0 : i32
      %dma_wait3A_199 = tpu.memref_slice %arg4[%add3A_197, %dma_wait3A_198] : memref<204800x768xf32, #tpu.memory_space<hbm>> -> memref<16x768xf32, #tpu.memory_space<hbm>>
      %dma_wait3A_200 = arith.constant 0 : i32
      %dma_wait3A_201 = tpu.memref_slice %arg4[%add3A_197, %dma_wait3A_200] : memref<204800x768xf32, #tpu.memory_space<hbm>> -> memref<16x768xf32, #tpu.memory_space<hbm>>
      tpu.wait_dma2 semaphore(%arg16 : memref<!tpu.dma_semaphore, #tpu.memory_space<semaphore_mem>>) src(%arg8 : memref<16x768xf32, #tpu.memory_space<vmem>>) dst(%dma_wait3A_201 : memref<16x768xf32, #tpu.memory_space<hbm>>)
      %add3A_202 = arith.constant 2 : i32
      %add3A_203 = arith.addi %add3A_179, %add3A_202 : i32
      %dma_start3A_204 = arith.constant 0 : i32
      %dma_start3A_205 = tpu.memref_slice %arg5[%add3A_203, %dma_start3A_204] : memref<400x16xi32, #tpu.memory_space<vmem>> -> memref<1x16xi32, #tpu.memory_space<vmem>>
      %dma_start3A_206 = tpu.memref_squeeze %dma_start3A_205 : memref<1x16xi32, #tpu.memory_space<vmem>> -> memref<16xi32, #tpu.memory_space<vmem>>
      %dma_start3A_207 = arith.constant 0 : i32
      %dma_start3A_208 = arith.constant 0 : i32
      %dma_start3A_209 = tpu.memref_slice %arg3[%dma_start3A_207, %dma_start3A_208] : memref<100000x768xf32, #tpu.memory_space<hbm>> -> memref<100000x768xf32, #tpu.memory_space<hbm>>
      tpu.enqueue_indirect_dma source(%dma_start3A_209 : memref<100000x768xf32, #tpu.memory_space<hbm>>) target(%arg8 : memref<16x768xf32, #tpu.memory_space<vmem>>) offsets(%dma_start3A_206 : memref<16xi32, #tpu.memory_space<vmem>>) semaphore(%arg12 : memref<!tpu.dma_semaphore, #tpu.memory_space<semaphore_mem>>)
      %add3A_210 = arith.constant 3 : i32
      %add3A_211 = arith.addi %add3A_114, %add3A_210 : i32
      %dma_wait3A_212 = arith.constant 0 : i32
      %dma_wait3A_213 = tpu.memref_slice %arg5[%add3A_211, %dma_wait3A_212] : memref<400x16xi32, #tpu.memory_space<vmem>> -> memref<1x16xi32, #tpu.memory_space<vmem>>
      %dma_wait3A_214 = tpu.memref_squeeze %dma_wait3A_213 : memref<1x16xi32, #tpu.memory_space<vmem>> -> memref<16xi32, #tpu.memory_space<vmem>>
      %dma_wait3A_215 = arith.constant 0 : i32
      %dma_wait3A_216 = arith.constant 0 : i32
      %dma_wait3A_217 = tpu.memref_slice %arg3[%dma_wait3A_215, %dma_wait3A_216] : memref<100000x768xf32, #tpu.memory_space<hbm>> -> memref<100000x768xf32, #tpu.memory_space<hbm>>
      tpu.wait_indirect_dma semaphore(%arg11 : memref<!tpu.dma_semaphore, #tpu.memory_space<semaphore_mem>>) src(%dma_wait3A_217 : memref<100000x768xf32, #tpu.memory_space<hbm>>) dst(%arg7 : memref<16x768xf32, #tpu.memory_space<vmem>>)
      %mul3A_218 = arith.constant 16 : i32
      %mul3A_219 = arith.muli %add3A_211, %mul3A_218 : i32
      %add3A_220 = arith.addi %mul3A_2, %mul3A_219 : i32
      %dma_start3A_221 = arith.constant 0 : i32
      %dma_start3A_222 = tpu.memref_slice %arg4[%add3A_220, %dma_start3A_221] : memref<204800x768xf32, #tpu.memory_space<hbm>> -> memref<16x768xf32, #tpu.memory_space<hbm>>
      %dma_start3A_223 = arith.constant 0 : i32
      %dma_start3A_224 = tpu.memref_slice %arg4[%add3A_220, %dma_start3A_223] : memref<204800x768xf32, #tpu.memory_space<hbm>> -> memref<16x768xf32, #tpu.memory_space<hbm>>
      tpu.enqueue_dma source(%arg7 : memref<16x768xf32, #tpu.memory_space<vmem>>) target(%dma_start3A_224 : memref<16x768xf32, #tpu.memory_space<hbm>>) target_semaphore(%arg15 : memref<!tpu.dma_semaphore, #tpu.memory_space<semaphore_mem>>)
      %sub3A_225 = arith.constant 2 : i32
      %sub3A_226 = arith.subi %add3A_211, %sub3A_225 : i32
      %mul3A_227 = arith.constant 16 : i32
      %mul3A_228 = arith.muli %sub3A_226, %mul3A_227 : i32
      %add3A_229 = arith.addi %mul3A_2, %mul3A_228 : i32
      %dma_wait3A_230 = arith.constant 0 : i32
      %dma_wait3A_231 = tpu.memref_slice %arg4[%add3A_229, %dma_wait3A_230] : memref<204800x768xf32, #tpu.memory_space<hbm>> -> memref<16x768xf32, #tpu.memory_space<hbm>>
      %dma_wait3A_232 = arith.constant 0 : i32
      %dma_wait3A_233 = tpu.memref_slice %arg4[%add3A_229, %dma_wait3A_232] : memref<204800x768xf32, #tpu.memory_space<hbm>> -> memref<16x768xf32, #tpu.memory_space<hbm>>
      tpu.wait_dma2 semaphore(%arg17 : memref<!tpu.dma_semaphore, #tpu.memory_space<semaphore_mem>>) src(%arg9 : memref<16x768xf32, #tpu.memory_space<vmem>>) dst(%dma_wait3A_233 : memref<16x768xf32, #tpu.memory_space<hbm>>)
      %add3A_234 = arith.constant 2 : i32
      %add3A_235 = arith.addi %add3A_211, %add3A_234 : i32
      %dma_start3A_236 = arith.constant 0 : i32
      %dma_start3A_237 = tpu.memref_slice %arg5[%add3A_235, %dma_start3A_236] : memref<400x16xi32, #tpu.memory_space<vmem>> -> memref<1x16xi32, #tpu.memory_space<vmem>>
      %dma_start3A_238 = tpu.memref_squeeze %dma_start3A_237 : memref<1x16xi32, #tpu.memory_space<vmem>> -> memref<16xi32, #tpu.memory_space<vmem>>
      %dma_start3A_239 = arith.constant 0 : i32
      %dma_start3A_240 = arith.constant 0 : i32
      %dma_start3A_241 = tpu.memref_slice %arg3[%dma_start3A_239, %dma_start3A_240] : memref<100000x768xf32, #tpu.memory_space<hbm>> -> memref<100000x768xf32, #tpu.memory_space<hbm>>
      tpu.enqueue_indirect_dma source(%dma_start3A_241 : memref<100000x768xf32, #tpu.memory_space<hbm>>) target(%arg9 : memref<16x768xf32, #tpu.memory_space<vmem>>) offsets(%dma_start3A_238 : memref<16xi32, #tpu.memory_space<vmem>>) semaphore(%arg13 : memref<!tpu.dma_semaphore, #tpu.memory_space<semaphore_mem>>)
    }
    %scan3A_59 = arith.constant 99 : i32
    %dma_wait3A_60 = arith.constant 398 : i32
    %dma_wait3A_61 = arith.constant 0 : i32
    %dma_wait3A_62 = tpu.memref_slice %arg5[%dma_wait3A_60, %dma_wait3A_61] : memref<400x16xi32, #tpu.memory_space<vmem>> -> memref<1x16xi32, #tpu.memory_space<vmem>>
    %dma_wait3A_63 = tpu.memref_squeeze %dma_wait3A_62 : memref<1x16xi32, #tpu.memory_space<vmem>> -> memref<16xi32, #tpu.memory_space<vmem>>
    %dma_wait3A_64 = arith.constant 0 : i32
    %dma_wait3A_65 = arith.constant 0 : i32
    %dma_wait3A_66 = tpu.memref_slice %arg3[%dma_wait3A_64, %dma_wait3A_65] : memref<100000x768xf32, #tpu.memory_space<hbm>> -> memref<100000x768xf32, #tpu.memory_space<hbm>>
    tpu.wait_indirect_dma semaphore(%arg12 : memref<!tpu.dma_semaphore, #tpu.memory_space<semaphore_mem>>) src(%dma_wait3A_66 : memref<100000x768xf32, #tpu.memory_space<hbm>>) dst(%arg8 : memref<16x768xf32, #tpu.memory_space<vmem>>)
    %add3A_67 = arith.constant 6368 : i32
    %add3A_68 = arith.addi %mul3A_2, %add3A_67 : i32
    %dma_start3A_69 = arith.constant 0 : i32
    %dma_start3A_70 = tpu.memref_slice %arg4[%add3A_68, %dma_start3A_69] : memref<204800x768xf32, #tpu.memory_space<hbm>> -> memref<16x768xf32, #tpu.memory_space<hbm>>
    %dma_start3A_71 = arith.constant 0 : i32
    %dma_start3A_72 = tpu.memref_slice %arg4[%add3A_68, %dma_start3A_71] : memref<204800x768xf32, #tpu.memory_space<hbm>> -> memref<16x768xf32, #tpu.memory_space<hbm>>
    tpu.enqueue_dma source(%arg8 : memref<16x768xf32, #tpu.memory_space<vmem>>) target(%dma_start3A_72 : memref<16x768xf32, #tpu.memory_space<hbm>>) target_semaphore(%arg16 : memref<!tpu.dma_semaphore, #tpu.memory_space<semaphore_mem>>)
    %add3A_73 = arith.constant 6336 : i32
    %add3A_74 = arith.addi %mul3A_2, %add3A_73 : i32
    %dma_wait3A_75 = arith.constant 0 : i32
    %dma_wait3A_76 = tpu.memref_slice %arg4[%add3A_74, %dma_wait3A_75] : memref<204800x768xf32, #tpu.memory_space<hbm>> -> memref<16x768xf32, #tpu.memory_space<hbm>>
    %dma_wait3A_77 = arith.constant 0 : i32
    %dma_wait3A_78 = tpu.memref_slice %arg4[%add3A_74, %dma_wait3A_77] : memref<204800x768xf32, #tpu.memory_space<hbm>> -> memref<16x768xf32, #tpu.memory_space<hbm>>
    tpu.wait_dma2 semaphore(%arg14 : memref<!tpu.dma_semaphore, #tpu.memory_space<semaphore_mem>>) src(%arg6 : memref<16x768xf32, #tpu.memory_space<vmem>>) dst(%dma_wait3A_78 : memref<16x768xf32, #tpu.memory_space<hbm>>)
    %dma_wait3A_79 = arith.constant 399 : i32
    %dma_wait3A_80 = arith.constant 0 : i32
    %dma_wait3A_81 = tpu.memref_slice %arg5[%dma_wait3A_79, %dma_wait3A_80] : memref<400x16xi32, #tpu.memory_space<vmem>> -> memref<1x16xi32, #tpu.memory_space<vmem>>
    %dma_wait3A_82 = tpu.memref_squeeze %dma_wait3A_81 : memref<1x16xi32, #tpu.memory_space<vmem>> -> memref<16xi32, #tpu.memory_space<vmem>>
    %dma_wait3A_83 = arith.constant 0 : i32
    %dma_wait3A_84 = arith.constant 0 : i32
    %dma_wait3A_85 = tpu.memref_slice %arg3[%dma_wait3A_83, %dma_wait3A_84] : memref<100000x768xf32, #tpu.memory_space<hbm>> -> memref<100000x768xf32, #tpu.memory_space<hbm>>
    tpu.wait_indirect_dma semaphore(%arg13 : memref<!tpu.dma_semaphore, #tpu.memory_space<semaphore_mem>>) src(%dma_wait3A_85 : memref<100000x768xf32, #tpu.memory_space<hbm>>) dst(%arg9 : memref<16x768xf32, #tpu.memory_space<vmem>>)
    %add3A_86 = arith.constant 6384 : i32
    %add3A_87 = arith.addi %mul3A_2, %add3A_86 : i32
    %dma_start3A_88 = arith.constant 0 : i32
    %dma_start3A_89 = tpu.memref_slice %arg4[%add3A_87, %dma_start3A_88] : memref<204800x768xf32, #tpu.memory_space<hbm>> -> memref<16x768xf32, #tpu.memory_space<hbm>>
    %dma_start3A_90 = arith.constant 0 : i32
    %dma_start3A_91 = tpu.memref_slice %arg4[%add3A_87, %dma_start3A_90] : memref<204800x768xf32, #tpu.memory_space<hbm>> -> memref<16x768xf32, #tpu.memory_space<hbm>>
    tpu.enqueue_dma source(%arg9 : memref<16x768xf32, #tpu.memory_space<vmem>>) target(%dma_start3A_91 : memref<16x768xf32, #tpu.memory_space<hbm>>) target_semaphore(%arg17 : memref<!tpu.dma_semaphore, #tpu.memory_space<semaphore_mem>>)
    %add3A_92 = arith.constant 6352 : i32
    %add3A_93 = arith.addi %mul3A_2, %add3A_92 : i32
    %dma_wait3A_94 = arith.constant 0 : i32
    %dma_wait3A_95 = tpu.memref_slice %arg4[%add3A_93, %dma_wait3A_94] : memref<204800x768xf32, #tpu.memory_space<hbm>> -> memref<16x768xf32, #tpu.memory_space<hbm>>
    %dma_wait3A_96 = arith.constant 0 : i32
    %dma_wait3A_97 = tpu.memref_slice %arg4[%add3A_93, %dma_wait3A_96] : memref<204800x768xf32, #tpu.memory_space<hbm>> -> memref<16x768xf32, #tpu.memory_space<hbm>>
    tpu.wait_dma2 semaphore(%arg15 : memref<!tpu.dma_semaphore, #tpu.memory_space<semaphore_mem>>) src(%arg7 : memref<16x768xf32, #tpu.memory_space<vmem>>) dst(%dma_wait3A_97 : memref<16x768xf32, #tpu.memory_space<hbm>>)
    %add3A_98 = arith.constant 6368 : i32
    %add3A_99 = arith.addi %mul3A_2, %add3A_98 : i32
    %dma_wait3A_100 = arith.constant 0 : i32
    %dma_wait3A_101 = tpu.memref_slice %arg4[%add3A_99, %dma_wait3A_100] : memref<204800x768xf32, #tpu.memory_space<hbm>> -> memref<16x768xf32, #tpu.memory_space<hbm>>
    %dma_wait3A_102 = arith.constant 0 : i32
    %dma_wait3A_103 = tpu.memref_slice %arg4[%add3A_99, %dma_wait3A_102] : memref<204800x768xf32, #tpu.memory_space<hbm>> -> memref<16x768xf32, #tpu.memory_space<hbm>>
    tpu.wait_dma2 semaphore(%arg16 : memref<!tpu.dma_semaphore, #tpu.memory_space<semaphore_mem>>) src(%arg8 : memref<16x768xf32, #tpu.memory_space<vmem>>) dst(%dma_wait3A_103 : memref<16x768xf32, #tpu.memory_space<hbm>>)
    %add3A_104 = arith.constant 6384 : i32
    %add3A_105 = arith.addi %mul3A_2, %add3A_104 : i32
    %dma_wait3A_106 = arith.constant 0 : i32
    %dma_wait3A_107 = tpu.memref_slice %arg4[%add3A_105, %dma_wait3A_106] : memref<204800x768xf32, #tpu.memory_space<hbm>> -> memref<16x768xf32, #tpu.memory_space<hbm>>
    %dma_wait3A_108 = arith.constant 0 : i32
    %dma_wait3A_109 = tpu.memref_slice %arg4[%add3A_105, %dma_wait3A_108] : memref<204800x768xf32, #tpu.memory_space<hbm>> -> memref<16x768xf32, #tpu.memory_space<hbm>>
    tpu.wait_dma2 semaphore(%arg17 : memref<!tpu.dma_semaphore, #tpu.memory_space<semaphore_mem>>) src(%arg9 : memref<16x768xf32, #tpu.memory_space<vmem>>) dst(%dma_wait3A_109 : memref<16x768xf32, #tpu.memory_space<hbm>>)
    return
  }
}

</mosaic_0001>

<sc_bundles>
// kernel: kernel.3.cloned.1.call-start
scs
__scs_entry_jumppad:
0x0: {  	(pc) =	sbr.rel $0x88, $3  }
0x1: {  	(tag) =	ssettag $0x0;
	lr =	simm.s32 $0x1  }
0x2: {  	[smem:$0x3F9F] =	sst lr;
	_ =	strace $0xD0000000  }
0x3: {  	_ = 	snop  }
0x4: {  	_ = 	snop  }
0x5: {  	_ = 	snop  }
0x6: {  	_ = 	snop  }
0x7: {  	_ = 	snop  }
__scs_overlays_trampoline_lowered:
0x8: {  	[smem:$0x3FAE] =	sst s0  }
0x9: {  	[smem:$0x3FAF] =	sst s1  }
0xa: {  	[smem:$0x3FB0] =	sst s2  }
0xb: {  	[smem:$0x3FB1] =	sst s3  }
0xc: {  	[smem:$0x3FB2] =	sst s4  }
0xd: {  	[smem:$0x3FB3] =	sst s5  }
0xe: {  	[smem:$0x3FB4] =	sst s6  }
0xf: {  	[smem:$0x3FB5] =	sst s7  }
0x10: {  	[smem:$0x3FB6] =	sst s8  }
0x11: {  	[smem:$0x3FB7] =	sst s9;
	s0 =	simm.s32 @!p0 $0x0  }
0x12: {  	s1 =	sld [smem:$0x3F9D];
	s0 =	simm.s32 @p0 $0x1  }
0x13: {  	[smem:$0x3FB8] =	sst s0;
	s0 =	simm.s32 @!p1 $0x0  }
0x14: {  	s2 =	sld [smem:$0x3F9C];
	s0 =	simm.s32 @p1 $0x1  }
0x15: {  	[smem:$0x3FB9] =	sst s0;
	s0 =	simm.s32 @!p2 $0x0  }
0x16: {  	s3 =	sld [smem:$0x3FDB];
	s0 =	simm.s32 @p2 $0x1  }
0x17: {  	s4 =	simm.s32 $0x1BF5;
	[smem:$0x3FBB] =	sst s0  }
0x18: {  	s0 =	sld [smem:$0x3F9E];
	_ =	swait.ge [sflag:s4], $0x0  }
0x19: {  	s7 =	sld [smem:$0x3F9F]  }
0x1a: {  	s8 =	sadd.s32 $0xFFFFE003, lr  }
0x1b: {  	s9 =	sadd.s32 $0xFFFFFEF7, lr;
	s5 =	simm.s32 $0xFFFFFFFF;
	p2 =	slt.u32 s8, $0xFFFFF086  }
0x1c: {  	p1 =	slt.u32 s9, $0xF7A;
	s5 =	simm.s32 @!p2 $0x0  }
0x1d: {  	s5 =	simm.s32 @p1 $0x1;
	p0 =	seq.s32 s7, s2  }
0x1e: {  	s7 =	smul.u32 @!p0 $0xF7A, s2;
	p2 =	seq.s32 @!p0 s5, $0x0  }
0x1f: {  	s9 =	smul.u32 $0xF7A, s1;
	s8 =	simm.s32 @!p0 $0x1BF5;
	p2 =	por !p2, p0  }
0x20: {  	[sflag:s8] =	ssyncset.s32 @!p0 $0xFFFFF086;
	s6 =	sadd.s32 @!p0 s3, s7;
	s7 =	simm.s32 @!p0 $0x108  }
0x21: {  	s3 =	sadd.s32 s3, s9;
	s6 =	sadd.s32 @!p0 $0x88, s6;
	s7 =	simm.s32 @p2 $0x1082  }
0x22: {  	[simem:s7], [sflag:s8] =	dma.local @!p0 [hbm:s6], $0xF7A  }
0x23: {  	s9 =	sor.u32 $0xD0000000, s2;
	s6 =	simm.s32 $0x108;
	_ =	swait.ge @!p0 [sflag:s8], $0x0  }
0x24: {  	s3 =	sadd.s32 $0x88, s3;
	s6 =	simm.s32 @!p1 $0x1082;
	[sflag:s4] =	ssyncset.s32 $0xFFFFF086  }
0x25: {  	[simem:s6], [sflag:s4] =	dma.local [hbm:s3], $0xF7A  }
0x26: {  	[smem:$0x3F9F] =	sst s1;
	(tag) =	ssettag s2;
	_ =	strace s9  }
0x27: {  	s1 =	sld [smem:$0x3FAF]  }
0x28: {  	s2 =	sld [smem:$0x3FB0]  }
0x29: {  	s4 =	sld [smem:$0x3FB2]  }
0x2a: {  	p0 =	seq.s32 s5, $0x0;
	s5 =	sld [smem:$0x3FB3]  }
0x2b: {  	s6 =	sld [smem:$0x3FB4]  }
0x2c: {  	s7 =	sld [smem:$0x3FB5]  }
0x2d: {  	s3 =	simm.s32 $0x108;
	s8 =	sld [smem:$0x3FB6]  }
0x2e: {  	s3 =	simm.s32 @!p0 $0x1082;
	s9 =	sld [smem:$0x3FB7]  }
0x2f: {  	lr =	sadd.s32 s0, s3;
	s0 =	sld [smem:$0x3FAE]  }
0x30: {  	s3 =	sld [smem:$0x3FB1]  }
0x31: {  	[smem:$0x3FBA] =	sst s10  }
0x32: {  	s10 =	sld [smem:$0x3FB8];
	_ =	sdelay $0x3  }
0x33: {  	p0 =	seq.s32 s10, $0x1;
	s10 =	sld [smem:$0x3FBA];
	_ =	sdelay $0x3  }
0x34: {  	[smem:$0x3FBA] =	sst s10  }
0x35: {  	s10 =	sld [smem:$0x3FB9];
	_ =	sdelay $0x3  }
0x36: {  	p1 =	seq.s32 s10, $0x1;
	s10 =	sld [smem:$0x3FBA];
	_ =	sdelay $0x3  }
0x37: {  	[smem:$0x3FBA] =	sst s10  }
0x38: {  	s10 =	sld [smem:$0x3FBB]  }
0x39: {  	_ = 	snop;
	(pc) =	sbr.ind lr, $3  }
0x3a: {  	_ = 	snop  }
0x3b: {  	_ = 	snop  }
0x3c: {  	p2 =	seq.s32 s10, $0x1;
	s10 =	sld [smem:$0x3FBA]  }
0x3d: {  	_ =	shalt  }
0x3e: {  	_ =	shalt  }
0x3f: {  	_ =	shalt  }
0x40: {  	_ =	shalt  }
0x41: {  	_ =	shalt  }
0x42: {  	_ =	shalt  }
0x43: {  	_ =	shalt  }
0x44: {  	_ =	shalt  }
0x45: {  	_ =	shalt  }
0x46: {  	_ =	shalt  }
0x47: {  	_ =	shalt  }
0x48: {  	_ =	shalt  }
0x49: {  	_ =	shalt  }
0x4a: {  	_ =	shalt  }
0x4b: {  	_ =	shalt  }
0x4c: {  	_ =	shalt  }
0x4d: {  	_ =	shalt  }
0x4e: {  	_ =	shalt  }
0x4f: {  	_ =	shalt  }
0x50: {  	_ =	shalt  }
0x51: {  	_ =	shalt  }
0x52: {  	_ =	shalt  }
0x53: {  	_ =	shalt  }
0x54: {  	_ =	shalt  }
0x55: {  	_ =	shalt  }
0x56: {  	_ =	shalt  }
0x57: {  	_ =	shalt  }
0x58: {  	_ =	shalt  }
0x59: {  	_ =	shalt  }
0x5a: {  	_ =	shalt  }
0x5b: {  	_ =	shalt  }
0x5c: {  	_ =	shalt  }
0x5d: {  	_ =	shalt  }
0x5e: {  	_ =	shalt  }
0x5f: {  	_ =	shalt  }
0x60: {  	_ =	shalt  }
0x61: {  	_ =	shalt  }
0x62: {  	_ =	shalt  }
0x63: {  	_ =	shalt  }
0x64: {  	_ =	shalt  }
0x65: {  	_ =	shalt  }
0x66: {  	_ =	shalt  }
0x67: {  	_ =	shalt  }
0x68: {  	_ =	shalt  }
0x69: {  	_ =	shalt  }
0x6a: {  	_ =	shalt  }
0x6b: {  	_ =	shalt  }
0x6c: {  	_ =	shalt  }
0x6d: {  	_ =	shalt  }
0x6e: {  	_ =	shalt  }
0x6f: {  	_ =	shalt  }
0x70: {  	_ =	shalt  }
0x71: {  	_ =	shalt  }
0x72: {  	_ =	shalt  }
0x73: {  	_ =	shalt  }
0x74: {  	_ =	shalt  }
0x75: {  	_ =	shalt  }
0x76: {  	_ =	shalt  }
0x77: {  	_ =	shalt  }
0x78: {  	_ =	shalt  }
0x79: {  	_ =	shalt  }
0x7a: {  	_ =	shalt  }
0x7b: {  	_ =	shalt  }
0x7c: {  	_ =	shalt  }
0x7d: {  	_ =	shalt  }
0x7e: {  	_ =	shalt  }
0x7f: {  	_ =	shalt  }
0x80: {  	_ =	shalt  }
0x81: {  	_ =	shalt  }
0x82: {  	_ =	shalt  }
0x83: {  	_ =	shalt  }
0x84: {  	_ =	shalt  }
0x85: {  	_ =	shalt  }
0x86: {  	_ =	shalt  }
0x87: {  	_ =	shalt  }
.Lfunc_end0:
.L_simem_size_0:
called_computation_lowered:
.L_overlay_start_0:
0x88: {  	s2 =	sld [smem:$0x3FD9]  }
0x89: {  	s3 =	sld [smem:$0x3FFE];
	_ =	sdelay $0x1  }
0x8a: {  	s1 =	srdreg.scid  }
0x8b: {  	s0 =	sand.u32 $0x1, s1  }
0x8c: {  	s17 =	sshll.u32 s0, $0xA;
	s2 =	sadd.s32 s3, s2  }
0x8d: {  	s2 =	sadd.s32 s2, s17  }
0x8e: {  	[smem:$0x3FC6] =	sst s2  }
0x8f: {  	_ = 	snop  }
0x90: {  	s2 =	sld [smem:$0x3FC8]  }
0x91: {  	s18 =	sld [smem:$0x3FD0];
	(tm) =	ssettm $0x1  }
0x92: {  	s4 =	sld [smem:$0x3FFB];
	_ =	sdelay $0x3  }
0x93: {  	_ =	strace s4  }
0x94: {  	s4 =	sld [smem:$0x3FFC];
	_ =	sdelay $0x3  }
0x95: {  	_ =	strace s4  }
0x96: {  	s4 =	sld [smem:$0x3FFD];
	_ =	sdelay $0x3  }
0x97: {  	_ =	strace s4  }
0x98: {  	_ =	strace $0x8FFFFFFF  }
0x99: {  	s19 =	sld [smem:$0x3FDB];
	_ =	sdelay $0x1  }
0x9a: {  	s5 =	simm.s32 $_scs_section_size  }
0x9b: {  	s6 =	simm.s32 $_size__tile_overlayer_lowered;
	s7 =	simm.s32 $_tile_overlayer_lowered  }
0x9c: {  	s22 =	simm.s32 $0x1BFF;
	s21 =	sshll.u32 s7, $0x1;
	s4 =	sadd.s32 s5, s19  }
0x9d: {  	s8 =	simm.s32 $0x0;
	s20 =	sshll.u32 s6, $0x1;
	s6 =	sadd.s32 s21, s4  }
0x9e: {  	[timem:s8], [sflag:s22] =	dma.local [hbm:s6], s20  }
0x9f: {  	_ =	swait.ge [sflag:s22], s20  }
0xa0: {  	s5 =	ssub.s32 $0x0, s20;
	[sflag:s22] =	ssyncset.done $0x0  }
0xa1: {  	[sflag:s22] =	ssyncadd.s32 s5;
	_ =	sdelay $0x1  }
0xa2: {  	s23 =	simm.s32 $0x1B8B  }
0xa3: {  	_ =	swait.ge [sflag:s23], $0x1  }
0xa4: {  	[sflag:s23] =	ssyncset.done $0x0  }
0xa5: {  	s25 =	simm.s32 $0x1B8E;
	s24 =	sld [smem:$0x3FFE];
	[sflag:s23] =	ssyncadd.s32 $0xFFFFFFFF  }
0xa6: {  	s26 =	simm.s32 $execute0_lowered;
	[smem:$0x3FD2] =	sst s25  }
0xa7: {  	s6 =	sshll.u32 s26, $0x1;
	_ =	strace $0x80000046;
	[dreg:$0x1] =	wrdreg $0xFFFFFFFF  }
0xa8: {  	s28 =	simm.s32 $_size_execute0_lowered;
	s4 =	sadd.s32 s4, s6;
	[dreg:$0x0] =	wrdreg $0x0  }
0xa9: {  	s6 =	sshll.u32 s28, $0x1;
	[dreg:$0x2] =	wrdreg s4  }
0xaa: {  	[dreg:$0x3] =	wrdreg s6  }
0xab: {  	[dreg:$0x4] =	wrdreg $0xC0  }
0xac: {  	_ =	task [dreg:s8], $0x5FFFF  }
0xad: {  	[dreg:$0x1] =	wrdreg $0xFFFFFFFF  }
0xae: {  	[dreg:$0x0] =	wrdreg $0x60  }
0xaf: {  	[dreg:$0x2] =	wrdreg s24  }
0xb0: {  	[dreg:$0x3] =	wrdreg s2  }
0xb1: {  	[dreg:$0x4] =	wrdreg s18  }
0xb2: {  	[dreg:$0x5] =	wrdreg $0x9  }
0xb3: {  	_ =	task.clear_ibuf [dreg:s8], $0x6FFFF;
	_ =	strace $0x90000046  }
0xb4: {  	s29 =	simm.s32 $0x9;
	_ =	strace $0x80000048  }
0xb5: {  	_ =	swait.ge [sflag:s29], $0x1  }
0xb6: {  	[sflag:s29] =	ssyncadd.s32 $0xFFFFFFFF  }
0xb7: {  	_ =	strace $0x90000048  }
0xb8: {  	_ =	sfence  }
0xb9: {  	s30 =	sld [smem:$0x0];
	_ =	sdelay $0x2  }
0xba: {  	s31 =	sshll.u32 s1, $0xD;
	s1 =	sshrl.u32 s1, $0x2  }
0xbb: {  	s3 =	sand.u32 $0x4000, s31;
	s1 =	sadd.s32 s1, s30  }
0xbc: {  	s0 =	sor.u32 s3, s0;
	s1 =	sshll.u32 s1, $0x11  }
0xbd: {  	s0 =	sor.u32 s1, s0  }
0xbe: {  	s0 =	sadd.s32 $0x8F2B, s0  }
0xbf: {  	[sflag:s0] =	ssyncadd.remote.s32 $0x1  }
0xc0: {  	_ =	sfence.sel $0xFFFF  }
0xc1: {  	[dreg:$0x0] =	wrdreg $0xFFFFFFFF;
	(pc) =	sbr.abs _section_cstart, $3  }
0xc2: {  	[dreg:$0x1] =	wrdreg $0xFFFFFFFF  }
0xc3: {  	_ =	task.clear_ibuf [dreg:s8], $0x2FFFF;
	_ =	strace $0x9FFFFFFF  }
0xc4: {  	(tm) =	ssettm $0x7FFFFFFF  }
0xc5: {  	_ =	shalt  }
tec
execute0_lowered:
.L_overlay_start_1:
0x0: {  	(tag) =	ssettag $0x1  }
0x1: {  	s0 =	rddreg [dreg:$0x0]  }
0x2: {  	s2 =	rddreg [dreg:$0x1];
	s1 =	srdreg.scid  }
0x3: {  	s7 =	stileid.u32;
	s4 =	rddreg [dreg:$0x2]  }
0x4: {  	s3 =	simm.s32 $0x0;
	s28 =	simm.s32 $0xF000;
	s30 =	simm.s32 $0xF800  }
0x5: {  	s29 =	simm.s32 $0x10000;
	s11 =	simm.s32 $0x13000;
	s13 =	simm.s32 $0x14000  }
0x6: {  	s31 =	simm.s32 $0x14800;
	s12 =	simm.s32 $0x3;
	s14 =	simm.s32 $0x5  }
0x7: {  	s15 =	simm.s32 $0x4;
	s16 =	simm.s32 $0x6;
	s17 =	simm.s32 $0x7  }
0x8: {  	s1 =	sand.u32 $0x1, s1;
	s5 =	sshll.u32 s7, $0x1;
	s7 =	smul.u32 $0x3200, s7  }
0x9: {  	s5 =	sor.u32 s1, s5;
	s6 =	ssub.s32 $0x2, s1;
	s1 =	smul.u32 $0x1900, s1  }
0xa: {  	[smem:$0x7FF] =	sst s3;
	s5 =	smul.u32 $0x1900, s5;
	s8 =	sshrl.u32 s6, $0x1  }
0xb: {  	_ =	strace $0x80000047;
	s8 =	ssub.s32 s6, s8;
	s18 =	sadd.s32 s1, s7  }
0xc: {  	s6 =	sadd.s32 $0x200, s2;
	s9 =	sshrl.u32 s5, $0x3;
	s0 =	sadd.s32 s5, s0  }
0xd: {  	s5 =	sadd.s32 $0x100, s2;
	s1 =	sor.u32 $0x50, s18;
	s20 =	sor.u32 $0x30, s18  }
0xe: {  	s21 =	sor.u32 $0x20, s18;
	s26 =	smax.u32 s8, $0x1;
	s8 =	simm.s32 $0x11000  }
0xf: {  	s9 =	smul.u32 $0x300, s9;
	s0 =	sadd.s32 $0x400, s0;
	s1 =	sshrl.u32 s1, $0x3  }
0x10: {  	s7 =	sshrl.u32 s20, $0x3;
	[dreg:$0xd] =	wrdreg s26;
	s26 =	simm.s32 $0x12800  }
0x11: {  	s20 =	simm.s32 $0x0;
	[dreg:$0x8] =	wrdreg s0;
	s1 =	smul.u32 $0x300, s1  }
0x12: {  	s7 =	smul.u32 $0x300, s7;
	s0 =	sor.u32 $0x40, s18;
	s18 =	simm.s32 $0x8  }
0x13: {  	[dreg:$0xe] =	wrdreg s20;
	s10 =	sadd.s32 s4, s9;
	s9 =	sshrl.u32 s21, $0x3  }
0x14: {  	s0 =	sshrl.u32 s0, $0x3;
	s19 =	sadd.s32 $0x600, s10;
	[dreg:$0x9] =	wrdreg s10  }
0x15: {  	s21 =	simm.s32 $0xD000;
	s1 =	sadd.s32 s1, s4;
	[dreg:$0xa] =	wrdreg s19  }
0x16: {  	s9 =	smul.u32 $0x300, s9;
	s23 =	sadd.s32 $0x95400, s10;
	[dreg:$0x4] =	wrdreg s1  }
0x17: {  	s22 =	sadd.s32 s7, s4;
	s0 =	smul.u32 $0x300, s0;
	[dreg:$0xb] =	wrdreg s23  }
0x18: {  	s25 =	sadd.s32 $0x95A00, s10;
	s10 =	simm.s32 $0x12000;
	[dreg:$0x5] =	wrdreg s22  }
0x19: {  	s7 =	simm.s32 $0x13800;
	[dreg:$0xc] =	wrdreg s25;
	s19 =	simm.s32 $0xC800  }
0x1a: {  	s22 =	simm.s32 $0xD800;
	s23 =	simm.s32 $0xE000;
	s1 =	simm.s32 $0x10800  }
0x1b: {  	v2 =	vlaneseq.u32;
	s25 =	simm.s32 $0x1;
	s24 =	sadd.s32 s9, s4;
	s0 =	sadd.s32 s0, s4  }
0x1c: {  	vm0 =	vmmov $0xffff;
	v1 =	vshrl.u32 v2, $0x3;
	s9 =	simm.s32 $0x11800;
	s4 =	simm.s32 $0x15800;
	[dreg:$0x6] =	wrdreg s24  }
0x1d: {  	v0 =	vand.u32 $0x7, v2;
	v2 =	vor.u32 $0x8, v2;
	v1 =	vmul.u32 $0x8, v1;
	[dreg:$0x7] =	wrdreg s0;
	s24 =	simm.s32 $0xE800;
	s0 =	simm.s32 $0x2  }
.LBB2_1:
0x1e: {  	s20 =	rddreg [dreg:$0x8]  }
0x1f: {  	[tilespmem:s3], [sflag:$0x9] =	stream.linear.gather [hbm4b:s20+s3], $0xC800, $0x38;
	[tilespmem:$0x18800] =	vst v63  }
0x20: {  	s20 =	simm.s32 $0x9  }
0x21: {  	_ =	swait.ge [sflag:s20], $0xC800  }
0x22: {  	[sflag:s20] =	ssyncset.done $0x0  }
0x23: {  	[sflag:s20] =	ssyncadd.s32 $0xFFFF3800  }
0x24: {  	v3 =	vld [tilespmem:$0x0];
	_ =	sdelay $0x4  }
0x25: {  	v4 =	vshrl.u32 v3, $0x3  }
0x26: {  	v4 =	vmul.u32 $0x30, v4  }
0x27: {  	v3 =	vand.u32 $0x7, v3  }
0x28: {  	v3 =	vor.u32 v3, v4  }
0x29: {  	v4 =	vperm.xlane v3, v0;
	_ =	sdelay $0x1  }
0x2a: {  	v4 =	vadd.s32 v1, v4;
	_ =	sdelay $0x3  }
0x2b: {  	v3 =	vperm.xlane v3, v2  }
0x2c: {  	[tilespmem:s19], [sflag:$0x1] =	stream.indirect_vreg.gather [hbm4b:s2+s3], $0x80, v4, vm0, $0xb8;
	[tilespmem:$0x18800] =	vst v63  }
0x2d: {  	v3 =	vadd.s32 v1, v3  }
0x2e: {  	[tilespmem:s21], [sflag:$0x1] =	stream.indirect_vreg.gather [hbm4b:s5+s3], $0x80, v4, vm0, $0xb8;
	[tilespmem:$0x18800] =	vst v63  }
0x2f: {  	_ = 	snop  }
0x30: {  	[tilespmem:s22], [sflag:$0x1] =	stream.indirect_vreg.gather [hbm4b:s6+s3], $0x80, v4, vm0, $0xb8;
	[tilespmem:$0x18800] =	vst v63  }
0x31: {  	_ = 	snop  }
0x32: {  	[tilespmem:s23], [sflag:$0x1] =	stream.indirect_vreg.gather [hbm4b:s2+s3], $0x80, v3, vm0, $0xb8;
	[tilespmem:$0x18800] =	vst v63  }
0x33: {  	_ = 	snop  }
0x34: {  	[tilespmem:s24], [sflag:$0x1] =	stream.indirect_vreg.gather [hbm4b:s5+s3], $0x80, v3, vm0, $0xb8;
	[tilespmem:$0x18800] =	vst v63  }
0x35: {  	_ = 	snop  }
0x36: {  	[tilespmem:s28], [sflag:$0x1] =	stream.indirect_vreg.gather [hbm4b:s6+s3], $0x80, v3, vm0, $0xb8;
	[tilespmem:$0x18800] =	vst v63  }
0x37: {  	v3 =	vld [tilespmem:$0x80];
	_ =	sdelay $0x4  }
0x38: {  	v61 =	vshrl.u32 v3, $0x3  }
0x39: {  	v4 =	vmul.u32 $0x30, v61  }
0x3a: {  	v3 =	vand.u32 $0x7, v3  }
0x3b: {  	v3 =	vor.u32 v3, v4  }
0x3c: {  	v4 =	vperm.xlane v3, v0;
	_ =	sdelay $0x1  }
0x3d: {  	v4 =	vadd.s32 v1, v4;
	_ =	sdelay $0x3  }
0x3e: {  	v3 =	vperm.xlane v3, v2  }
0x3f: {  	[tilespmem:s30], [sflag:$0x2] =	stream.indirect_vreg.gather [hbm4b:s2+s3], $0x80, v4, vm0, $0xb8;
	[tilespmem:$0x18800] =	vst v63  }
0x40: {  	v3 =	vadd.s32 v1, v3  }
0x41: {  	[tilespmem:s29], [sflag:$0x2] =	stream.indirect_vreg.gather [hbm4b:s5+s3], $0x80, v4, vm0, $0xb8;
	[tilespmem:$0x18800] =	vst v63  }
0x42: {  	_ = 	snop  }
0x43: {  	[tilespmem:s1], [sflag:$0x2] =	stream.indirect_vreg.gather [hbm4b:s6+s3], $0x80, v4, vm0, $0xb8;
	[tilespmem:$0x18800] =	vst v63  }
0x44: {  	_ = 	snop  }
0x45: {  	[tilespmem:s8], [sflag:$0x2] =	stream.indirect_vreg.gather [hbm4b:s2+s3], $0x80, v3, vm0, $0xb8;
	[tilespmem:$0x18800] =	vst v63  }
0x46: {  	_ = 	snop  }
0x47: {  	[tilespmem:s9], [sflag:$0x2] =	stream.indirect_vreg.gather [hbm4b:s5+s3], $0x80, v3, vm0, $0xb8;
	[tilespmem:$0x18800] =	vst v63  }
0x48: {  	_ = 	snop  }
0x49: {  	[tilespmem:s10], [sflag:$0x2] =	stream.indirect_vreg.gather [hbm4b:s6+s3], $0x80, v3, vm0, $0xb8;
	[tilespmem:$0x18800] =	vst v63  }
0x4a: {  	_ =	swait.ge [sflag:s25], $0x3000  }
0x4b: {  	[sflag:s25] =	ssyncset.done $0x0  }
0x4c: {  	s10 =	rddreg [dreg:$0x9];
	[sflag:s25] =	ssyncadd.s32 $0xFFFFD000  }
0x4d: {  	[hbm4b:s10+s3] =	stream.linear.scatter [tilespmem:s19], [sflag:$0x5], $0x3000, $0x38;
	[tilespmem:$0x18800] =	vst v63  }
0x4e: {  	v3 =	vld [tilespmem:$0x100];
	_ =	sdelay $0x4  }
0x4f: {  	v62 =	vshrl.u32 v3, $0x3  }
0x50: {  	v4 =	vmul.u32 $0x30, v62  }
0x51: {  	v3 =	vand.u32 $0x7, v3  }
0x52: {  	v3 =	vor.u32 v3, v4  }
0x53: {  	v4 =	vperm.xlane v3, v0;
	_ =	sdelay $0x1  }
0x54: {  	v4 =	vadd.s32 v1, v4;
	_ =	sdelay $0x3  }
0x55: {  	v3 =	vperm.xlane v3, v2  }
0x56: {  	[tilespmem:s26], [sflag:$0x3] =	stream.indirect_vreg.gather [hbm4b:s2+s3], $0x80, v4, vm0, $0xb8;
	[tilespmem:$0x18800] =	vst v63  }
0x57: {  	v3 =	vadd.s32 v1, v3  }
0x58: {  	[tilespmem:s11], [sflag:$0x3] =	stream.indirect_vreg.gather [hbm4b:s5+s3], $0x80, v4, vm0, $0xb8;
	[tilespmem:$0x18800] =	vst v63  }
0x59: {  	_ = 	snop  }
0x5a: {  	[tilespmem:s7], [sflag:$0x3] =	stream.indirect_vreg.gather [hbm4b:s6+s3], $0x80, v4, vm0, $0xb8;
	[tilespmem:$0x18800] =	vst v63  }
0x5b: {  	_ = 	snop  }
0x5c: {  	[tilespmem:s13], [sflag:$0x3] =	stream.indirect_vreg.gather [hbm4b:s2+s3], $0x80, v3, vm0, $0xb8;
	[tilespmem:$0x18800] =	vst v63  }
0x5d: {  	_ = 	snop  }
0x5e: {  	[tilespmem:s31], [sflag:$0x3] =	stream.indirect_vreg.gather [hbm4b:s5+s3], $0x80, v3, vm0, $0xb8;
	[tilespmem:$0x18800] =	vst v63  }
0x5f: {  	s20 =	simm.s32 $0x15000  }
0x60: {  	[tilespmem:s20], [sflag:$0x3] =	stream.indirect_vreg.gather [hbm4b:s6+s3], $0x80, v3, vm0, $0xb8;
	[tilespmem:$0x18800] =	vst v63  }
0x61: {  	_ =	swait.ge [sflag:s0], $0x3000  }
0x62: {  	[sflag:s0] =	ssyncset.done $0x0  }
0x63: {  	s21 =	rddreg [dreg:$0xa];
	[sflag:s0] =	ssyncadd.s32 $0xFFFFD000  }
0x64: {  	[hbm4b:s21+s3] =	stream.linear.scatter [tilespmem:s30], [sflag:$0x6], $0x3000, $0x38;
	[tilespmem:$0x18800] =	vst v63  }
0x65: {  	v3 =	vld [tilespmem:$0x180];
	_ =	sdelay $0x4  }
0x66: {  	v63 =	vshrl.u32 v3, $0x3  }
0x67: {  	v4 =	vmul.u32 $0x30, v63  }
0x68: {  	v3 =	vand.u32 $0x7, v3  }
0x69: {  	v3 =	vor.u32 v3, v4  }
0x6a: {  	v4 =	vperm.xlane v3, v0;
	_ =	sdelay $0x1  }
0x6b: {  	v4 =	vadd.s32 v1, v4;
	_ =	sdelay $0x2  }
0x6c: {  	s22 =	simm.s32 $0x16000  }
0x6d: {  	s23 =	simm.s32 $0x16800;
	s24 =	simm.s32 $0x17000;
	s28 =	simm.s32 $0x14800;
	v3 =	vperm.xlane v3, v2  }
0x6e: {  	[tilespmem:s4], [sflag:$0x4] =	stream.indirect_vreg.gather [hbm4b:s2+s3], $0x80, v4, vm0, $0xb8;
	[tilespmem:$0x18800] =	vst v63  }
0x6f: {  	s29 =	simm.s32 $0xE800;
	s1 =	simm.s32 $0xF800;
	s8 =	simm.s32 $0x11000;
	v3 =	vadd.s32 v1, v3  }
0x70: {  	[tilespmem:s22], [sflag:$0x4] =	stream.indirect_vreg.gather [hbm4b:s5+s3], $0x80, v4, vm0, $0xb8;
	[tilespmem:$0x18800] =	vst v63  }
0x71: {  	s9 =	simm.s32 $0x11800;
	s10 =	simm.s32 $0x12000;
	s19 =	simm.s32 $0xC800  }
0x72: {  	[tilespmem:s23], [sflag:$0x4] =	stream.indirect_vreg.gather [hbm4b:s6+s3], $0x80, v4, vm0, $0xb8;
	[tilespmem:$0x18800] =	vst v63  }
0x73: {  	s11 =	simm.s32 $0x13000;
	s7 =	simm.s32 $0x13800;
	s13 =	simm.s32 $0x14000  }
0x74: {  	[tilespmem:s24], [sflag:$0x4] =	stream.indirect_vreg.gather [hbm4b:s2+s3], $0x80, v3, vm0, $0xb8;
	[tilespmem:$0x18800] =	vst v63  }
0x75: {  	s31 =	simm.s32 $0x10000;
	s20 =	simm.s32 $0x380;
	s23 =	simm.s32 $0x17800  }
0x76: {  	[tilespmem:s23], [sflag:$0x4] =	stream.indirect_vreg.gather [hbm4b:s5+s3], $0x80, v3, vm0, $0xb8;
	[tilespmem:$0x18800] =	vst v63  }
0x77: {  	s30 =	simm.s32 $0x18000;
	s21 =	simm.s32 $0x0;
	s24 =	simm.s32 $0xD800  }
0x78: {  	[tilespmem:s30], [sflag:$0x4] =	stream.indirect_vreg.gather [hbm4b:s6+s3], $0x80, v3, vm0, $0xb8;
	[tilespmem:$0x18800] =	vst v63  }
.LBB2_2:
0x79: {  	_ =	swait.ge [sflag:s12], $0x3000  }
0x7a: {  	s22 =	rddreg [dreg:$0x6];
	[sflag:s12] =	ssyncset.done $0x0  }
0x7b: {  	[sflag:s12] =	ssyncadd.s32 $0xFFFFD000;
	s22 =	sadd.s32 s21, s22  }
0x7c: {  	[hbm4b:s22+s3] =	stream.linear.scatter [tilespmem:s26], [sflag:$0x7], $0x3000, $0x38;
	[tilespmem:$0x18800] =	vst v63  }
0x7d: {  	_ =	swait.ge [sflag:s14], $0x3000  }
0x7e: {  	[sflag:s14] =	ssyncset.done $0x0  }
0x7f: {  	[sflag:s14] =	ssyncadd.s32 $0xFFFFD000  }
0x80: {  	v3 =	vld [tilespmem:s20+$0xFFFFFE80];
	_ =	sdelay $0x4  }
0x81: {  	v4 =	vshrl.u32 v3, $0x3  }
0x82: {  	v4 =	vmul.u32 $0x30, v4  }
0x83: {  	v3 =	vand.u32 $0x7, v3  }
0x84: {  	v3 =	vor.u32 v3, v4  }
0x85: {  	v4 =	vperm.xlane v3, v0;
	_ =	sdelay $0x1  }
0x86: {  	v4 =	vadd.s32 v1, v4;
	_ =	sdelay $0x3  }
0x87: {  	v3 =	vperm.xlane v3, v2  }
0x88: {  	[tilespmem:s19], [sflag:$0x1] =	stream.indirect_vreg.gather [hbm4b:s2+s3], $0x80, v4, vm0, $0xb8;
	[tilespmem:$0x18800] =	vst v63  }
0x89: {  	s22 =	simm.s32 $0xD000;
	v3 =	vadd.s32 v1, v3  }
0x8a: {  	[tilespmem:s22], [sflag:$0x1] =	stream.indirect_vreg.gather [hbm4b:s5+s3], $0x80, v4, vm0, $0xb8;
	[tilespmem:$0x18800] =	vst v63  }
0x8b: {  	_ = 	snop  }
0x8c: {  	[tilespmem:s24], [sflag:$0x1] =	stream.indirect_vreg.gather [hbm4b:s6+s3], $0x80, v4, vm0, $0xb8;
	[tilespmem:$0x18800] =	vst v63  }
0x8d: {  	s22 =	simm.s32 $0xE000  }
0x8e: {  	[tilespmem:s22], [sflag:$0x1] =	stream.indirect_vreg.gather [hbm4b:s2+s3], $0x80, v3, vm0, $0xb8;
	[tilespmem:$0x18800] =	vst v63  }
0x8f: {  	_ = 	snop  }
0x90: {  	[tilespmem:s29], [sflag:$0x1] =	stream.indirect_vreg.gather [hbm4b:s5+s3], $0x80, v3, vm0, $0xb8;
	[tilespmem:$0x18800] =	vst v63  }
0x91: {  	s22 =	simm.s32 $0xF000  }
0x92: {  	[tilespmem:s22], [sflag:$0x1] =	stream.indirect_vreg.gather [hbm4b:s6+s3], $0x80, v3, vm0, $0xb8;
	[tilespmem:$0x18800] =	vst v63  }
0x93: {  	_ =	swait.ge [sflag:s15], $0x3000  }
0x94: {  	s22 =	rddreg [dreg:$0x5];
	[sflag:s15] =	ssyncset.done $0x0  }
0x95: {  	[sflag:s15] =	ssyncadd.s32 $0xFFFFD000;
	s22 =	sadd.s32 s21, s22  }
0x96: {  	[hbm4b:s22+s3] =	stream.linear.scatter [tilespmem:s4], [sflag:$0x8], $0x3000, $0x38;
	[tilespmem:$0x18800] =	vst v63  }
0x97: {  	_ =	swait.ge [sflag:s16], $0x3000  }
0x98: {  	[sflag:s16] =	ssyncset.done $0x0  }
0x99: {  	[sflag:s16] =	ssyncadd.s32 $0xFFFFD000  }
0x9a: {  	v3 =	vld [tilespmem:s20+$0xFFFFFF00];
	_ =	sdelay $0x4  }
0x9b: {  	v61 =	vshrl.u32 v3, $0x3  }
0x9c: {  	v4 =	vmul.u32 $0x30, v61  }
0x9d: {  	v3 =	vand.u32 $0x7, v3  }
0x9e: {  	v3 =	vor.u32 v3, v4  }
0x9f: {  	v4 =	vperm.xlane v3, v0;
	_ =	sdelay $0x1  }
0xa0: {  	v4 =	vadd.s32 v1, v4;
	_ =	sdelay $0x3  }
0xa1: {  	v3 =	vperm.xlane v3, v2  }
0xa2: {  	[tilespmem:s1], [sflag:$0x2] =	stream.indirect_vreg.gather [hbm4b:s2+s3], $0x80, v4, vm0, $0xb8;
	[tilespmem:$0x18800] =	vst v63  }
0xa3: {  	v3 =	vadd.s32 v1, v3  }
0xa4: {  	[tilespmem:s31], [sflag:$0x2] =	stream.indirect_vreg.gather [hbm4b:s5+s3], $0x80, v4, vm0, $0xb8;
	[tilespmem:$0x18800] =	vst v63  }
0xa5: {  	s22 =	simm.s32 $0x10800  }
0xa6: {  	[tilespmem:s22], [sflag:$0x2] =	stream.indirect_vreg.gather [hbm4b:s6+s3], $0x80, v4, vm0, $0xb8;
	[tilespmem:$0x18800] =	vst v63  }
0xa7: {  	_ = 	snop  }
0xa8: {  	[tilespmem:s8], [sflag:$0x2] =	stream.indirect_vreg.gather [hbm4b:s2+s3], $0x80, v3, vm0, $0xb8;
	[tilespmem:$0x18800] =	vst v63  }
0xa9: {  	_ = 	snop  }
0xaa: {  	[tilespmem:s9], [sflag:$0x2] =	stream.indirect_vreg.gather [hbm4b:s5+s3], $0x80, v3, vm0, $0xb8;
	[tilespmem:$0x18800] =	vst v63  }
0xab: {  	_ = 	snop  }
0xac: {  	[tilespmem:s10], [sflag:$0x2] =	stream.indirect_vreg.gather [hbm4b:s6+s3], $0x80, v3, vm0, $0xb8;
	[tilespmem:$0x18800] =	vst v63  }
0xad: {  	_ =	swait.ge [sflag:s25], $0x3000  }
0xae: {  	s22 =	rddreg [dreg:$0x7];
	[sflag:s25] =	ssyncset.done $0x0  }
0xaf: {  	[sflag:s25] =	ssyncadd.s32 $0xFFFFD000;
	s22 =	sadd.s32 s21, s22  }
0xb0: {  	[hbm4b:s22+s3] =	stream.linear.scatter [tilespmem:s19], [sflag:$0x5], $0x3000, $0x38;
	[tilespmem:$0x18800] =	vst v63  }
0xb1: {  	_ =	swait.ge [sflag:s17], $0x3000  }
0xb2: {  	[sflag:s17] =	ssyncset.done $0x0  }
0xb3: {  	[sflag:s17] =	ssyncadd.s32 $0xFFFFD000  }
0xb4: {  	v3 =	vld [tilespmem:s20+$0xFFFFFF80];
	_ =	sdelay $0x4  }
0xb5: {  	v62 =	vshrl.u32 v3, $0x3  }
0xb6: {  	v4 =	vmul.u32 $0x30, v62  }
0xb7: {  	v3 =	vand.u32 $0x7, v3  }
0xb8: {  	v3 =	vor.u32 v3, v4  }
0xb9: {  	v4 =	vperm.xlane v3, v0;
	_ =	sdelay $0x1  }
0xba: {  	v4 =	vadd.s32 v1, v4;
	_ =	sdelay $0x3  }
0xbb: {  	v3 =	vperm.xlane v3, v2  }
0xbc: {  	[tilespmem:s26], [sflag:$0x3] =	stream.indirect_vreg.gather [hbm4b:s2+s3], $0x80, v4, vm0, $0xb8;
	[tilespmem:$0x18800] =	vst v63  }
0xbd: {  	v3 =	vadd.s32 v1, v3  }
0xbe: {  	[tilespmem:s11], [sflag:$0x3] =	stream.indirect_vreg.gather [hbm4b:s5+s3], $0x80, v4, vm0, $0xb8;
	[tilespmem:$0x18800] =	vst v63  }
0xbf: {  	_ = 	snop  }
0xc0: {  	[tilespmem:s7], [sflag:$0x3] =	stream.indirect_vreg.gather [hbm4b:s6+s3], $0x80, v4, vm0, $0xb8;
	[tilespmem:$0x18800] =	vst v63  }
0xc1: {  	_ = 	snop  }
0xc2: {  	[tilespmem:s13], [sflag:$0x3] =	stream.indirect_vreg.gather [hbm4b:s2+s3], $0x80, v3, vm0, $0xb8;
	[tilespmem:$0x18800] =	vst v63  }
0xc3: {  	_ = 	snop  }
0xc4: {  	[tilespmem:s28], [sflag:$0x3] =	stream.indirect_vreg.gather [hbm4b:s5+s3], $0x80, v3, vm0, $0xb8;
	[tilespmem:$0x18800] =	vst v63  }
0xc5: {  	s22 =	simm.s32 $0x15000  }
0xc6: {  	[tilespmem:s22], [sflag:$0x3] =	stream.indirect_vreg.gather [hbm4b:s6+s3], $0x80, v3, vm0, $0xb8;
	[tilespmem:$0x18800] =	vst v63  }
0xc7: {  	_ =	swait.ge [sflag:s0], $0x3000  }
0xc8: {  	s22 =	rddreg [dreg:$0x4];
	[sflag:s0] =	ssyncset.done $0x0  }
0xc9: {  	[sflag:s0] =	ssyncadd.s32 $0xFFFFD000;
	s22 =	sadd.s32 s21, s22  }
0xca: {  	[hbm4b:s22+s3] =	stream.linear.scatter [tilespmem:s1], [sflag:$0x6], $0x3000, $0x38;
	[tilespmem:$0x18800] =	vst v63  }
0xcb: {  	_ =	swait.ge [sflag:s18], $0x3000  }
0xcc: {  	[sflag:s18] =	ssyncset.done $0x0  }
0xcd: {  	[sflag:s18] =	ssyncadd.s32 $0xFFFFD000  }
0xce: {  	v3 =	vld [tilespmem:s20+$0x0];
	_ =	sdelay $0x4  }
0xcf: {  	v63 =	vshrl.u32 v3, $0x3  }
0xd0: {  	v4 =	vmul.u32 $0x30, v63  }
0xd1: {  	v3 =	vand.u32 $0x7, v3  }
0xd2: {  	v3 =	vor.u32 v3, v4  }
0xd3: {  	v4 =	vperm.xlane v3, v0;
	_ =	sdelay $0x1  }
0xd4: {  	v4 =	vadd.s32 v1, v4;
	_ =	sdelay $0x3  }
0xd5: {  	v3 =	vperm.xlane v3, v2  }
0xd6: {  	[tilespmem:s4], [sflag:$0x4] =	stream.indirect_vreg.gather [hbm4b:s2+s3], $0x80, v4, vm0, $0xb8;
	[tilespmem:$0x18800] =	vst v63  }
0xd7: {  	s22 =	simm.s32 $0x16000;
	v3 =	vadd.s32 v1, v3  }
0xd8: {  	[tilespmem:s22], [sflag:$0x4] =	stream.indirect_vreg.gather [hbm4b:s5+s3], $0x80, v4, vm0, $0xb8;
	[tilespmem:$0x18800] =	vst v63  }
0xd9: {  	s22 =	simm.s32 $0x16800  }
0xda: {  	[tilespmem:s22], [sflag:$0x4] =	stream.indirect_vreg.gather [hbm4b:s6+s3], $0x80, v4, vm0, $0xb8;
	[tilespmem:$0x18800] =	vst v63  }
0xdb: {  	p0 =	sne.s32 s21, $0x93000;
	s22 =	simm.s32 $0x17000  }
0xdc: {  	[tilespmem:s22], [sflag:$0x4] =	stream.indirect_vreg.gather [hbm4b:s2+s3], $0x80, v3, vm0, $0xb8;
	[tilespmem:$0x18800] =	vst v63  }
.Ltmp0:
0xdd: {  	_ = 	snop;
	(pc) =	sbr.rel @p0 .LBB2_2-.Ltmp0, $4  }
0xde: {  	_ = 	snop  }
0xdf: {  	[tilespmem:s23], [sflag:$0x4] =	stream.indirect_vreg.gather [hbm4b:s5+s3], $0x80, v3, vm0, $0xb8;
	[tilespmem:$0x18800] =	vst v63  }
0xe0: {  	s21 =	sadd.s32 $0x1800, s21;
	s20 =	sadd.s32 $0x200, s20  }
0xe1: {  	[tilespmem:s30], [sflag:$0x4] =	stream.indirect_vreg.gather [hbm4b:s6+s3], $0x80, v3, vm0, $0xb8;
	[tilespmem:$0x18800] =	vst v63  }
0xe2: {  	_ =	swait.ge [sflag:s12], $0x3000  }
0xe3: {  	[sflag:s12] =	ssyncset.done $0x0  }
0xe4: {  	s20 =	rddreg [dreg:$0xb];
	[sflag:s12] =	ssyncadd.s32 $0xFFFFD000  }
0xe5: {  	[hbm4b:s20+s3] =	stream.linear.scatter [tilespmem:s26], [sflag:$0x7], $0x3000, $0x38;
	[tilespmem:$0x18800] =	vst v63  }
0xe6: {  	_ =	swait.ge [sflag:s14], $0x3000  }
0xe7: {  	[sflag:s14] =	ssyncset.done $0x0  }
0xe8: {  	[sflag:s14] =	ssyncadd.s32 $0xFFFFD000  }
0xe9: {  	_ =	swait.ge [sflag:s15], $0x3000  }
0xea: {  	[sflag:s15] =	ssyncset.done $0x0  }
0xeb: {  	s23 =	rddreg [dreg:$0xc];
	[sflag:s15] =	ssyncadd.s32 $0xFFFFD000  }
0xec: {  	[hbm4b:s23+s3] =	stream.linear.scatter [tilespmem:s4], [sflag:$0x8], $0x3000, $0x38;
	[tilespmem:$0x18800] =	vst v63  }
0xed: {  	_ =	swait.ge [sflag:s16], $0x3000  }
0xee: {  	[sflag:s16] =	ssyncset.done $0x0  }
0xef: {  	[sflag:s16] =	ssyncadd.s32 $0xFFFFD000  }
0xf0: {  	_ =	swait.ge [sflag:s17], $0x3000  }
0xf1: {  	[sflag:s17] =	ssyncset.done $0x0  }
0xf2: {  	[sflag:s17] =	ssyncadd.s32 $0xFFFFD000  }
0xf3: {  	_ =	swait.ge [sflag:s18], $0x3000  }
0xf4: {  	s21 =	simm.s32 $0xD000;
	s22 =	simm.s32 $0xD800;
	s1 =	rddreg [dreg:$0xe]  }
0xf5: {  	s28 =	simm.s32 $0xF000;
	s24 =	rddreg [dreg:$0xd];
	s1 =	sadd.s32 $0x1, s1  }
0xf6: {  	s29 =	simm.s32 $0x10000;
	s8 =	simm.s32 $0x11000;
	p0 =	sne.s32 s1, s24  }
.Ltmp1:
0xf7: {  	s9 =	simm.s32 $0x11800;
	s10 =	simm.s32 $0x12000;
	(pc) =	sbr.rel @p0 .LBB2_1-.Ltmp1, $4  }
0xf8: {  	s11 =	simm.s32 $0x13000;
	s7 =	simm.s32 $0x13800;
	s13 =	simm.s32 $0x14000  }
0xf9: {  	s19 =	simm.s32 $0xC800;
	s30 =	simm.s32 $0xF800;
	[sflag:s18] =	ssyncset.done $0x0  }
0xfa: {  	s31 =	simm.s32 $0x14800;
	s23 =	simm.s32 $0xE000;
	[sflag:s18] =	ssyncadd.s32 $0xFFFFD000  }
0xfb: {  	[dreg:$0xe] =	wrdreg s1;
	s24 =	simm.s32 $0xE800;
	s1 =	simm.s32 $0x10800  }
0xfc: {  	_ =	sfence.sel $0x180000  }
0xfd: {  	[bflag:$0x0] =	sbarrier.arrive $0xFFFF  }
0xfe: {  	_ =	strace $0x90000047  }
0xff: {  	s0 =	stileid.u32;
	[bflag:$0x2] =	sbarrier.arrive $0xFFFF  }
0x100: {  	p0 =	sne.s32 s0, $0x0;
	s0 =	rddreg [dreg:$0x3]  }
0x101: {  	s0 =	sadd.s32 @!p0 $0x100000, s0  }
0x102: {  	[sflag:s0] =	ssyncadd.tile.s32 @!p0 $0x1;
	_ =	shalt  }
.Lfunc_end2:
_tile_overlayer_lowered:
.L_overlay_start_2:
0x103: {  	(tag) =	ssettag $0x2  }
0x104: {  	s0 =	rddreg [dreg:$0x0];
	s2 =	stileid.u32  }
0x105: {  	s1 =	rddreg [dreg:$0x1];
	p0 =	sne.s32 s2, $0x0  }
0x106: {  	s3 =	rddreg [dreg:$0x2];
	[bflag:$0x3] =	sbarrier.arrive $0xFFFF;
	s2 =	simm.s32 @!p0 $0x1C09  }
0x107: {  	[timem:s3], [sflag:s2] =	dma.local @!p0 [hbm:s0], s1  }
0x108: {  	s0 =	simm.s32 @!p0 $0x9  }
0x109: {  	_ =	swait.ge @!p0 [sflag:s0], s1  }
0x10a: {  	s1 =	ssub.s32 @!p0 $0x0, s1;
	[sflag:s0] =	ssyncset.done @!p0 $0x0  }
0x10b: {  	[sflag:s0] =	ssyncadd.s32 @!p0 s1  }
0x10c: {  	[bflag:$0x3] =	sbarrier.arrive $0xFFFF  }
0x10d: {  	_ =	shalt  }

</sc_bundles>
